<compile_context>
chip_gen: v7x
topology: tpu7x:2x2x1
jax: 0.10.2.dev20260603
libtpu: 0.0.44.dev20260713+nightly
codegen_flags: <defaults>
</compile_context>

<pallas_src>
import functools

import jax
import jax.numpy as jnp
from jax import lax
from jax.experimental import pallas as pl
from jax.experimental.pallas import tpu as pltpu
from jax.experimental.pallas import tpu_sc as plsc

_B, _S, _D = 4, 8192, 1024
_N = 128
_ROWS = _B * _N
_NC, _NS = 1, 16
_NW = _NC * _NS
_RPW = _ROWS // _NW
_WPB = _N // _RPW

_NCHUNK = 2
_CROWS = _RPW // _NCHUNK


@functools.partial(
    pl.kernel,
    mesh=plsc.VectorSubcoreMesh(
        core_axis_name="c", subcore_axis_name="s", num_cores=1
    ),
    out_type=jax.ShapeDtypeStruct((_ROWS, _D), jnp.float32),
    scratch_types=[
        pltpu.VMEM((_RPW,), jnp.int32),
        pltpu.VMEM((_RPW, _D), jnp.float32),
        pltpu.SemaphoreType.DMA,
        pltpu.SemaphoreType.DMA,
    ],
)
def _sc_gather(x_hbm, idx_hbm, out_hbm, idx_v, rows_v, gsem, ssem):
    wid = lax.axis_index("s") * _NC + lax.axis_index("c")
    batch = wid // _WPB
    pltpu.sync_copy(idx_hbm.at[pl.ds((wid % _WPB) * _RPW, _RPW)], idx_v)
    for i in range(_RPW // 16):
        sl = pl.ds(i * 16, 16)
        idx_v[sl] = idx_v[sl] + batch * _S
    gathers = []
    for i in range(_NCHUNK):
        gathers.append(
            pltpu.async_copy(
                x_hbm.at[idx_v.at[pl.ds(i * _CROWS, _CROWS)]],
                rows_v.at[pl.ds(i * _CROWS, _CROWS)],
                gsem,
            )
        )
    stores = []
    for i in range(_NCHUNK):
        gathers[i].wait()
        stores.append(
            pltpu.async_copy(
                rows_v.at[pl.ds(i * _CROWS, _CROWS)],
                out_hbm.at[pl.ds(wid * _RPW + i * _CROWS, _CROWS)],
                ssem,
            )
        )
    for s in stores:
        s.wait()


def kernel(x, index):
    x_flat = x.reshape(_B * _S, _D)
    out = _sc_gather(x_flat, index.astype(jnp.int32))
    return out.reshape(_B, _N, _D)

# --- scband reference (transcript-rebuilt; emitter-appended) ---
"""Pipeline reference for scband-select-elements-73100343377938 (READ-ONLY COPY).

The authoritative reference and input builder live on the scoring server;
editing this copy changes nothing except your own understanding.
"""

import jax, jax.numpy as jnp
import numpy as np


def setup_inputs(seed: int = 0) -> dict:
    key = jax.random.key(seed)
    x = jax.random.normal(jax.random.fold_in(key, 0), (4, 8192, 1024), dtype=jnp.float32)
    index = jnp.arange(0, 8192, 64, dtype=jnp.int64 if jax.config.jax_enable_x64 else jnp.int32)
    return {"x": x, "index": index}


def reference(x, index):
    # SelectElements.forward: x[:, self.index, ...]
    # Gather along axis 1 with a static index list.
    return jnp.take(x, index, axis=1)

if __name__ == "__main__":
    import jax
    _d = setup_inputs()
    print(jax.jit(kernel)(*tuple(_d.values())))

</pallas_src>

<mosaic_0001>
#map = affine_map<(d0, d1) -> (0, 0)>
#map1 = affine_map<(d0, d1) -> (0)>
module attributes {stable_mosaic.version = 14 : i64} {
  func.func @_sc_gather(%arg0: i32, %arg1: i32, %arg2: memref<32768x1024xf32, #tpu.memory_space<hbm>>, %arg3: memref<128xi32, #tpu.memory_space<hbm>>, %arg4: memref<512x1024xf32, #tpu.memory_space<hbm>>, %arg5: memref<32xi32, #tpu.memory_space<vmem>>, %arg6: memref<32x1024xf32, #tpu.memory_space<vmem>>, %arg7: memref<!tpu.dma_semaphore, #tpu.memory_space<semaphore_mem>>, %arg8: memref<!tpu.dma_semaphore, #tpu.memory_space<semaphore_mem>>) attributes {dimension_semantics = [#tpu.dimension_semantics<core_parallel>, #tpu.dimension_semantics<subcore_parallel>], iteration_bounds = array<i64: 1, 16>, scalar_prefetch = 0 : i64, scratch_operands = 4 : i64, tpu.core_type = #tpu.core_type<sc_vector_subcore>, window_params = [{transform_indices = #map}, {transform_indices = #map1}, {transform_indices = #map}]} {
    %mul3A = arith.constant 1 : i32
    %mul3A_0 = arith.muli %arg1, %mul3A : i32
    %add3A = arith.addi %mul3A_0, %arg0 : i32
    %jit3A = arith.constant 4 : i32
    %div3A = arith.divsi %add3A, %jit3A : i32
    %sign3A = arith.constant 0 : i32
    %sign3A_1 = arith.cmpi sgt, %add3A, %sign3A : i32
    %sign3A_2 = arith.extui %sign3A_1 : i1 to i32
    %sign3A_3 = arith.constant 0 : i32
    %sign3A_4 = arith.cmpi slt, %add3A, %sign3A_3 : i32
    %sign3A_5 = arith.extui %sign3A_4 : i1 to i32
    %sign3A_6 = arith.subi %sign3A_2, %sign3A_5 : i32
    %sign3A_7 = arith.constant 0 : i32
    %sign3A_8 = arith.cmpi sgt, %jit3A, %sign3A_7 : i32
    %sign3A_9 = arith.extui %sign3A_8 : i1 to i32
    %sign3A_10 = arith.constant 0 : i32
    %sign3A_11 = arith.cmpi slt, %jit3A, %sign3A_10 : i32
    %sign3A_12 = arith.extui %sign3A_11 : i1 to i32
    %sign3A_13 = arith.subi %sign3A_9, %sign3A_12 : i32
    %ne3A = arith.cmpi ne, %sign3A_6, %sign3A_13 : i32
    %rem3A = arith.remsi %add3A, %jit3A : i32
    %ne3A_14 = arith.constant 0 : i32
    %ne3A_15 = arith.cmpi ne, %rem3A, %ne3A_14 : i32
    %and3A = arith.andi %ne3A, %ne3A_15 : i1
    %sub3A = arith.constant 1 : i32
    %sub3A_16 = arith.subi %div3A, %sub3A : i32
    %select_n3A = arith.select %and3A, %sub3A_16, %div3A : i32
    %jit3A_17 = arith.constant 4 : i32
    %eq3A = arith.constant 0 : i32
    %eq3A_18 = arith.cmpi eq, %jit3A_17, %eq3A : i32
    %jit3A_19 = arith.constant 1 : i32
    %select_n3A_20 = arith.select %eq3A_18, %jit3A_19, %jit3A_17 : i32
    %rem3A_21 = arith.remsi %add3A, %select_n3A_20 : i32
    %ne3A_22 = arith.constant 0 : i32
    %ne3A_23 = arith.cmpi ne, %rem3A_21, %ne3A_22 : i32
    %lt3A = arith.constant 0 : i32
    %lt3A_24 = arith.cmpi slt, %rem3A_21, %lt3A : i32
    %lt3A_25 = arith.constant 0 : i32
    %lt3A_26 = arith.cmpi slt, %select_n3A_20, %lt3A_25 : i32
    %ne3A_27 = arith.xori %lt3A_24, %lt3A_26 : i1
    %and3A_28 = arith.andi %ne3A_27, %ne3A_23 : i1
    %add3A_29 = arith.addi %rem3A_21, %select_n3A_20 : i32
    %select_n3A_30 = arith.select %and3A_28, %add3A_29, %rem3A_21 : i32
    %mul3A_31 = arith.constant 32 : i32
    %mul3A_32 = arith.muli %select_n3A_30, %mul3A_31 : i32
    "tpu.region"() ({
      %run_scoped3A = tpu.sem_alloc : memref<!tpu.dma_semaphore, #tpu.memory_space<semaphore_mem>>
      %dma_start3A_131 = tpu.memref_slice %arg3[%mul3A_32] : memref<128xi32, #tpu.memory_space<hbm>> -> memref<32xi32, #tpu.memory_space<hbm>>
      %dma_start3A_132 = tpu.memref_slice %arg3[%mul3A_32] : memref<128xi32, #tpu.memory_space<hbm>> -> memref<32xi32, #tpu.memory_space<hbm>>
      tpu.enqueue_dma source(%dma_start3A_132 : memref<32xi32, #tpu.memory_space<hbm>>) target(%arg5 : memref<32xi32, #tpu.memory_space<vmem>>) target_semaphore(%run_scoped3A : memref<!tpu.dma_semaphore, #tpu.memory_space<semaphore_mem>>)
      %dma_wait3A_133 = tpu.memref_slice %arg3[%mul3A_32] : memref<128xi32, #tpu.memory_space<hbm>> -> memref<32xi32, #tpu.memory_space<hbm>>
      %dma_wait3A_134 = tpu.memref_slice %arg3[%mul3A_32] : memref<128xi32, #tpu.memory_space<hbm>> -> memref<32xi32, #tpu.memory_space<hbm>>
      tpu.wait_dma2 semaphore(%run_scoped3A : memref<!tpu.dma_semaphore, #tpu.memory_space<semaphore_mem>>) src(%dma_wait3A_134 : memref<32xi32, #tpu.memory_space<hbm>>) dst(%arg5 : memref<32xi32, #tpu.memory_space<vmem>>)
      tpu.yield
    }) : () -> ()
    %get3A = arith.constant 0 : index
    %get3A_33 = tpu.vector_load %arg5[%get3A] {strides = array<i32>} : memref<32xi32, #tpu.memory_space<vmem>>, vector<16xi32>,
    %get3A_34 = vector.shape_cast %get3A_33 : vector<16xi32> to vector<16xi32>
    %mul3A_35 = arith.constant 8192 : i32
    %mul3A_36 = arith.muli %select_n3A, %mul3A_35 : i32
    %add3A_37 = vector.broadcast %mul3A_36 : i32 to vector<16xi32>
    %add3A_38 = arith.addi %get3A_34, %add3A_37 : vector<16xi32>
    %swap3A = arith.constant 0 : index
    %swap3A_39 = tpu.vector_load %arg5[%swap3A] {strides = array<i32>} : memref<32xi32, #tpu.memory_space<vmem>>, vector<16xi32>,
    %swap3A_40 = vector.shape_cast %swap3A_39 : vector<16xi32> to vector<16xi32>
    %swap3A_41 = vector.shape_cast %add3A_38 : vector<16xi32> to vector<16xi32>
    tpu.vector_store %arg5[%swap3A], %swap3A_41 {strides = array<i32>} : memref<32xi32, #tpu.memory_space<vmem>>, vector<16xi32>,
    %get3A_42 = arith.constant 16 : index
    %get3A_43 = tpu.vector_load %arg5[%get3A_42] {strides = array<i32>} : memref<32xi32, #tpu.memory_space<vmem>>, vector<16xi32>,
    %get3A_44 = vector.shape_cast %get3A_43 : vector<16xi32> to vector<16xi32>
    %mul3A_45 = arith.constant 8192 : i32
    %mul3A_46 = arith.muli %select_n3A, %mul3A_45 : i32
    %add3A_47 = vector.broadcast %mul3A_46 : i32 to vector<16xi32>
    %add3A_48 = arith.addi %get3A_44, %add3A_47 : vector<16xi32>
    %swap3A_49 = arith.constant 16 : index
    %swap3A_50 = tpu.vector_load %arg5[%swap3A_49] {strides = array<i32>} : memref<32xi32, #tpu.memory_space<vmem>>, vector<16xi32>,
    %swap3A_51 = vector.shape_cast %swap3A_50 : vector<16xi32> to vector<16xi32>
    %swap3A_52 = vector.shape_cast %add3A_48 : vector<16xi32> to vector<16xi32>
    tpu.vector_store %arg5[%swap3A_49], %swap3A_52 {strides = array<i32>} : memref<32xi32, #tpu.memory_space<vmem>>, vector<16xi32>,
    %dma_start3A = arith.constant 0 : i32
    %dma_start3A_53 = arith.constant 0 : i32
    %dma_start3A_54 = tpu.memref_slice %arg6[%dma_start3A, %dma_start3A_53] : memref<32x1024xf32, #tpu.memory_space<vmem>> -> memref<16x1024xf32, #tpu.memory_space<vmem>>
    %dma_start3A_55 = arith.constant 0 : i32
    %dma_start3A_56 = tpu.memref_slice %arg5[%dma_start3A_55] : memref<32xi32, #tpu.memory_space<vmem>> -> memref<16xi32, #tpu.memory_space<vmem>>
    %dma_start3A_57 = arith.constant 0 : i32
    %dma_start3A_58 = arith.constant 0 : i32
    %dma_start3A_59 = tpu.memref_slice %arg2[%dma_start3A_57, %dma_start3A_58] : memref<32768x1024xf32, #tpu.memory_space<hbm>> -> memref<32768x1024xf32, #tpu.memory_space<hbm>>
    tpu.enqueue_indirect_dma source(%dma_start3A_59 : memref<32768x1024xf32, #tpu.memory_space<hbm>>) target(%dma_start3A_54 : memref<16x1024xf32, #tpu.memory_space<vmem>>) offsets(%dma_start3A_56 : memref<16xi32, #tpu.memory_space<vmem>>) semaphore(%arg7 : memref<!tpu.dma_semaphore, #tpu.memory_space<semaphore_mem>>)
    %dma_start3A_60 = arith.constant 16 : i32
    %dma_start3A_61 = arith.constant 0 : i32
    %dma_start3A_62 = tpu.memref_slice %arg6[%dma_start3A_60, %dma_start3A_61] : memref<32x1024xf32, #tpu.memory_space<vmem>> -> memref<16x1024xf32, #tpu.memory_space<vmem>>
    %dma_start3A_63 = arith.constant 16 : i32
    %dma_start3A_64 = tpu.memref_slice %arg5[%dma_start3A_63] : memref<32xi32, #tpu.memory_space<vmem>> -> memref<16xi32, #tpu.memory_space<vmem>>
    %dma_start3A_65 = arith.constant 0 : i32
    %dma_start3A_66 = arith.constant 0 : i32
    %dma_start3A_67 = tpu.memref_slice %arg2[%dma_start3A_65, %dma_start3A_66] : memref<32768x1024xf32, #tpu.memory_space<hbm>> -> memref<32768x1024xf32, #tpu.memory_space<hbm>>
    tpu.enqueue_indirect_dma source(%dma_start3A_67 : memref<32768x1024xf32, #tpu.memory_space<hbm>>) target(%dma_start3A_62 : memref<16x1024xf32, #tpu.memory_space<vmem>>) offsets(%dma_start3A_64 : memref<16xi32, #tpu.memory_space<vmem>>) semaphore(%arg7 : memref<!tpu.dma_semaphore, #tpu.memory_space<semaphore_mem>>)
    %dma_wait3A = arith.constant 0 : i32
    %dma_wait3A_68 = arith.constant 0 : i32
    %dma_wait3A_69 = tpu.memref_slice %arg6[%dma_wait3A, %dma_wait3A_68] : memref<32x1024xf32, #tpu.memory_space<vmem>> -> memref<16x1024xf32, #tpu.memory_space<vmem>>
    %dma_wait3A_70 = arith.constant 0 : i32
    %dma_wait3A_71 = tpu.memref_slice %arg5[%dma_wait3A_70] : memref<32xi32, #tpu.memory_space<vmem>> -> memref<16xi32, #tpu.memory_space<vmem>>
    %dma_wait3A_72 = arith.constant 0 : i32
    %dma_wait3A_73 = arith.constant 0 : i32
    %dma_wait3A_74 = tpu.memref_slice %arg2[%dma_wait3A_72, %dma_wait3A_73] : memref<32768x1024xf32, #tpu.memory_space<hbm>> -> memref<32768x1024xf32, #tpu.memory_space<hbm>>
    tpu.wait_indirect_dma semaphore(%arg7 : memref<!tpu.dma_semaphore, #tpu.memory_space<semaphore_mem>>) src(%dma_wait3A_74 : memref<32768x1024xf32, #tpu.memory_space<hbm>>) dst(%dma_wait3A_69 : memref<16x1024xf32, #tpu.memory_space<vmem>>)
    %mul3A_75 = arith.constant 32 : i32
    %mul3A_76 = arith.muli %add3A, %mul3A_75 : i32
    %add3A_77 = arith.constant 0 : i32
    %add3A_78 = arith.addi %mul3A_76, %add3A_77 : i32
    %dma_start3A_79 = arith.constant 0 : i32
    %dma_start3A_80 = arith.constant 0 : i32
    %dma_start3A_81 = tpu.memref_slice %arg6[%dma_start3A_79, %dma_start3A_80] : memref<32x1024xf32, #tpu.memory_space<vmem>> -> memref<16x1024xf32, #tpu.memory_space<vmem>>
    %dma_start3A_82 = arith.constant 0 : i32
    %dma_start3A_83 = tpu.memref_slice %arg4[%add3A_78, %dma_start3A_82] : memref<512x1024xf32, #tpu.memory_space<hbm>> -> memref<16x1024xf32, #tpu.memory_space<hbm>>
    %dma_start3A_84 = arith.constant 0 : i32
    %dma_start3A_85 = tpu.memref_slice %arg4[%add3A_78, %dma_start3A_84] : memref<512x1024xf32, #tpu.memory_space<hbm>> -> memref<16x1024xf32, #tpu.memory_space<hbm>>
    %dma_start3A_86 = arith.constant 0 : i32
    %dma_start3A_87 = arith.constant 0 : i32
    %dma_start3A_88 = tpu.memref_slice %arg6[%dma_start3A_86, %dma_start3A_87] : memref<32x1024xf32, #tpu.memory_space<vmem>> -> memref<16x1024xf32, #tpu.memory_space<vmem>>
    tpu.enqueue_dma source(%dma_start3A_88 : memref<16x1024xf32, #tpu.memory_space<vmem>>) target(%dma_start3A_85 : memref<16x1024xf32, #tpu.memory_space<hbm>>) target_semaphore(%arg8 : memref<!tpu.dma_semaphore, #tpu.memory_space<semaphore_mem>>)
    %dma_wait3A_89 = arith.constant 16 : i32
    %dma_wait3A_90 = arith.constant 0 : i32
    %dma_wait3A_91 = tpu.memref_slice %arg6[%dma_wait3A_89, %dma_wait3A_90] : memref<32x1024xf32, #tpu.memory_space<vmem>> -> memref<16x1024xf32, #tpu.memory_space<vmem>>
    %dma_wait3A_92 = arith.constant 16 : i32
    %dma_wait3A_93 = tpu.memref_slice %arg5[%dma_wait3A_92] : memref<32xi32, #tpu.memory_space<vmem>> -> memref<16xi32, #tpu.memory_space<vmem>>
    %dma_wait3A_94 = arith.constant 0 : i32
    %dma_wait3A_95 = arith.constant 0 : i32
    %dma_wait3A_96 = tpu.memref_slice %arg2[%dma_wait3A_94, %dma_wait3A_95] : memref<32768x1024xf32, #tpu.memory_space<hbm>> -> memref<32768x1024xf32, #tpu.memory_space<hbm>>
    tpu.wait_indirect_dma semaphore(%arg7 : memref<!tpu.dma_semaphore, #tpu.memory_space<semaphore_mem>>) src(%dma_wait3A_96 : memref<32768x1024xf32, #tpu.memory_space<hbm>>) dst(%dma_wait3A_91 : memref<16x1024xf32, #tpu.memory_space<vmem>>)
    %mul3A_97 = arith.constant 32 : i32
    %mul3A_98 = arith.muli %add3A, %mul3A_97 : i32
    %add3A_99 = arith.constant 16 : i32
    %add3A_100 = arith.addi %mul3A_98, %add3A_99 : i32
    %dma_start3A_101 = arith.constant 16 : i32
    %dma_start3A_102 = arith.constant 0 : i32
    %dma_start3A_103 = tpu.memref_slice %arg6[%dma_start3A_101, %dma_start3A_102] : memref<32x1024xf32, #tpu.memory_space<vmem>> -> memref<16x1024xf32, #tpu.memory_space<vmem>>
    %dma_start3A_104 = arith.constant 0 : i32
    %dma_start3A_105 = tpu.memref_slice %arg4[%add3A_100, %dma_start3A_104] : memref<512x1024xf32, #tpu.memory_space<hbm>> -> memref<16x1024xf32, #tpu.memory_space<hbm>>
    %dma_start3A_106 = arith.constant 0 : i32
    %dma_start3A_107 = tpu.memref_slice %arg4[%add3A_100, %dma_start3A_106] : memref<512x1024xf32, #tpu.memory_space<hbm>> -> memref<16x1024xf32, #tpu.memory_space<hbm>>
    %dma_start3A_108 = arith.constant 16 : i32
    %dma_start3A_109 = arith.constant 0 : i32
    %dma_start3A_110 = tpu.memref_slice %arg6[%dma_start3A_108, %dma_start3A_109] : memref<32x1024xf32, #tpu.memory_space<vmem>> -> memref<16x1024xf32, #tpu.memory_space<vmem>>
    tpu.enqueue_dma source(%dma_start3A_110 : memref<16x1024xf32, #tpu.memory_space<vmem>>) target(%dma_start3A_107 : memref<16x1024xf32, #tpu.memory_space<hbm>>) target_semaphore(%arg8 : memref<!tpu.dma_semaphore, #tpu.memory_space<semaphore_mem>>)
    %dma_wait3A_111 = arith.constant 0 : i32
    %dma_wait3A_112 = arith.constant 0 : i32
    %dma_wait3A_113 = tpu.memref_slice %arg6[%dma_wait3A_111, %dma_wait3A_112] : memref<32x1024xf32, #tpu.memory_space<vmem>> -> memref<16x1024xf32, #tpu.memory_space<vmem>>
    %dma_wait3A_114 = arith.constant 0 : i32
    %dma_wait3A_115 = tpu.memref_slice %arg4[%add3A_78, %dma_wait3A_114] : memref<512x1024xf32, #tpu.memory_space<hbm>> -> memref<16x1024xf32, #tpu.memory_space<hbm>>
    %dma_wait3A_116 = arith.constant 0 : i32
    %dma_wait3A_117 = tpu.memref_slice %arg4[%add3A_78, %dma_wait3A_116] : memref<512x1024xf32, #tpu.memory_space<hbm>> -> memref<16x1024xf32, #tpu.memory_space<hbm>>
    %dma_wait3A_118 = arith.constant 0 : i32
    %dma_wait3A_119 = arith.constant 0 : i32
    %dma_wait3A_120 = tpu.memref_slice %arg6[%dma_wait3A_118, %dma_wait3A_119] : memref<32x1024xf32, #tpu.memory_space<vmem>> -> memref<16x1024xf32, #tpu.memory_space<vmem>>
    tpu.wait_dma2 semaphore(%arg8 : memref<!tpu.dma_semaphore, #tpu.memory_space<semaphore_mem>>) src(%dma_wait3A_120 : memref<16x1024xf32, #tpu.memory_space<vmem>>) dst(%dma_wait3A_117 : memref<16x1024xf32, #tpu.memory_space<hbm>>)
    %dma_wait3A_121 = arith.constant 16 : i32
    %dma_wait3A_122 = arith.constant 0 : i32
    %dma_wait3A_123 = tpu.memref_slice %arg6[%dma_wait3A_121, %dma_wait3A_122] : memref<32x1024xf32, #tpu.memory_space<vmem>> -> memref<16x1024xf32, #tpu.memory_space<vmem>>
    %dma_wait3A_124 = arith.constant 0 : i32
    %dma_wait3A_125 = tpu.memref_slice %arg4[%add3A_100, %dma_wait3A_124] : memref<512x1024xf32, #tpu.memory_space<hbm>> -> memref<16x1024xf32, #tpu.memory_space<hbm>>
    %dma_wait3A_126 = arith.constant 0 : i32
    %dma_wait3A_127 = tpu.memref_slice %arg4[%add3A_100, %dma_wait3A_126] : memref<512x1024xf32, #tpu.memory_space<hbm>> -> memref<16x1024xf32, #tpu.memory_space<hbm>>
    %dma_wait3A_128 = arith.constant 16 : i32
    %dma_wait3A_129 = arith.constant 0 : i32
    %dma_wait3A_130 = tpu.memref_slice %arg6[%dma_wait3A_128, %dma_wait3A_129] : memref<32x1024xf32, #tpu.memory_space<vmem>> -> memref<16x1024xf32, #tpu.memory_space<vmem>>
    tpu.wait_dma2 semaphore(%arg8 : memref<!tpu.dma_semaphore, #tpu.memory_space<semaphore_mem>>) src(%dma_wait3A_130 : memref<16x1024xf32, #tpu.memory_space<vmem>>) dst(%dma_wait3A_127 : memref<16x1024xf32, #tpu.memory_space<hbm>>)
    return
  }
}

</mosaic_0001>

<sc_bundles>
// kernel: kernel.3.cloned.1.call-start
scs
__scs_entry_jumppad:
0x0: {  	(pc) =	sbr.rel $0x88, $3  }
0x1: {  	(tag) =	ssettag $0x0;
	lr =	simm.s32 $0x1  }
0x2: {  	[smem:$0x3F9F] =	sst lr;
	_ =	strace $0xD0000000  }
0x3: {  	_ = 	snop  }
0x4: {  	_ = 	snop  }
0x5: {  	_ = 	snop  }
0x6: {  	_ = 	snop  }
0x7: {  	_ = 	snop  }
__scs_overlays_trampoline_lowered:
0x8: {  	[smem:$0x3FAE] =	sst s0  }
0x9: {  	[smem:$0x3FAF] =	sst s1  }
0xa: {  	[smem:$0x3FB0] =	sst s2  }
0xb: {  	[smem:$0x3FB1] =	sst s3  }
0xc: {  	[smem:$0x3FB2] =	sst s4  }
0xd: {  	[smem:$0x3FB3] =	sst s5  }
0xe: {  	[smem:$0x3FB4] =	sst s6  }
0xf: {  	[smem:$0x3FB5] =	sst s7  }
0x10: {  	[smem:$0x3FB6] =	sst s8  }
0x11: {  	[smem:$0x3FB7] =	sst s9;
	s0 =	simm.s32 @!p0 $0x0  }
0x12: {  	s1 =	sld [smem:$0x3F9D];
	s0 =	simm.s32 @p0 $0x1  }
0x13: {  	[smem:$0x3FB8] =	sst s0;
	s0 =	simm.s32 @!p1 $0x0  }
0x14: {  	s2 =	sld [smem:$0x3F9C];
	s0 =	simm.s32 @p1 $0x1  }
0x15: {  	[smem:$0x3FB9] =	sst s0;
	s0 =	simm.s32 @!p2 $0x0  }
0x16: {  	s3 =	sld [smem:$0x3FDB];
	s0 =	simm.s32 @p2 $0x1  }
0x17: {  	s4 =	simm.s32 $0x1BF5;
	[smem:$0x3FBB] =	sst s0  }
0x18: {  	s0 =	sld [smem:$0x3F9E];
	_ =	swait.ge [sflag:s4], $0x0  }
0x19: {  	s7 =	sld [smem:$0x3F9F]  }
0x1a: {  	s8 =	sadd.s32 $0xFFFFE003, lr  }
0x1b: {  	s9 =	sadd.s32 $0xFFFFFEF7, lr;
	s5 =	simm.s32 $0xFFFFFFFF;
	p2 =	slt.u32 s8, $0xFFFFF086  }
0x1c: {  	p1 =	slt.u32 s9, $0xF7A;
	s5 =	simm.s32 @!p2 $0x0  }
0x1d: {  	s5 =	simm.s32 @p1 $0x1;
	p0 =	seq.s32 s7, s2  }
0x1e: {  	s7 =	smul.u32 @!p0 $0xF7A, s2;
	p2 =	seq.s32 @!p0 s5, $0x0  }
0x1f: {  	s9 =	smul.u32 $0xF7A, s1;
	s8 =	simm.s32 @!p0 $0x1BF5;
	p2 =	por !p2, p0  }
0x20: {  	[sflag:s8] =	ssyncset.s32 @!p0 $0xFFFFF086;
	s6 =	sadd.s32 @!p0 s3, s7;
	s7 =	simm.s32 @!p0 $0x108  }
0x21: {  	s3 =	sadd.s32 s3, s9;
	s6 =	sadd.s32 @!p0 $0x88, s6;
	s7 =	simm.s32 @p2 $0x1082  }
0x22: {  	[simem:s7], [sflag:s8] =	dma.local @!p0 [hbm:s6], $0xF7A  }
0x23: {  	s9 =	sor.u32 $0xD0000000, s2;
	s6 =	simm.s32 $0x108;
	_ =	swait.ge @!p0 [sflag:s8], $0x0  }
0x24: {  	s3 =	sadd.s32 $0x88, s3;
	s6 =	simm.s32 @!p1 $0x1082;
	[sflag:s4] =	ssyncset.s32 $0xFFFFF086  }
0x25: {  	[simem:s6], [sflag:s4] =	dma.local [hbm:s3], $0xF7A  }
0x26: {  	[smem:$0x3F9F] =	sst s1;
	(tag) =	ssettag s2;
	_ =	strace s9  }
0x27: {  	s1 =	sld [smem:$0x3FAF]  }
0x28: {  	s2 =	sld [smem:$0x3FB0]  }
0x29: {  	s4 =	sld [smem:$0x3FB2]  }
0x2a: {  	p0 =	seq.s32 s5, $0x0;
	s5 =	sld [smem:$0x3FB3]  }
0x2b: {  	s6 =	sld [smem:$0x3FB4]  }
0x2c: {  	s7 =	sld [smem:$0x3FB5]  }
0x2d: {  	s3 =	simm.s32 $0x108;
	s8 =	sld [smem:$0x3FB6]  }
0x2e: {  	s3 =	simm.s32 @!p0 $0x1082;
	s9 =	sld [smem:$0x3FB7]  }
0x2f: {  	lr =	sadd.s32 s0, s3;
	s0 =	sld [smem:$0x3FAE]  }
0x30: {  	s3 =	sld [smem:$0x3FB1]  }
0x31: {  	[smem:$0x3FBA] =	sst s10  }
0x32: {  	s10 =	sld [smem:$0x3FB8];
	_ =	sdelay $0x3  }
0x33: {  	p0 =	seq.s32 s10, $0x1;
	s10 =	sld [smem:$0x3FBA];
	_ =	sdelay $0x3  }
0x34: {  	[smem:$0x3FBA] =	sst s10  }
0x35: {  	s10 =	sld [smem:$0x3FB9];
	_ =	sdelay $0x3  }
0x36: {  	p1 =	seq.s32 s10, $0x1;
	s10 =	sld [smem:$0x3FBA];
	_ =	sdelay $0x3  }
0x37: {  	[smem:$0x3FBA] =	sst s10  }
0x38: {  	s10 =	sld [smem:$0x3FBB]  }
0x39: {  	_ = 	snop;
	(pc) =	sbr.ind lr, $3  }
0x3a: {  	_ = 	snop  }
0x3b: {  	_ = 	snop  }
0x3c: {  	p2 =	seq.s32 s10, $0x1;
	s10 =	sld [smem:$0x3FBA]  }
0x3d: {  	_ =	shalt  }
0x3e: {  	_ =	shalt  }
0x3f: {  	_ =	shalt  }
0x40: {  	_ =	shalt  }
0x41: {  	_ =	shalt  }
0x42: {  	_ =	shalt  }
0x43: {  	_ =	shalt  }
0x44: {  	_ =	shalt  }
0x45: {  	_ =	shalt  }
0x46: {  	_ =	shalt  }
0x47: {  	_ =	shalt  }
0x48: {  	_ =	shalt  }
0x49: {  	_ =	shalt  }
0x4a: {  	_ =	shalt  }
0x4b: {  	_ =	shalt  }
0x4c: {  	_ =	shalt  }
0x4d: {  	_ =	shalt  }
0x4e: {  	_ =	shalt  }
0x4f: {  	_ =	shalt  }
0x50: {  	_ =	shalt  }
0x51: {  	_ =	shalt  }
0x52: {  	_ =	shalt  }
0x53: {  	_ =	shalt  }
0x54: {  	_ =	shalt  }
0x55: {  	_ =	shalt  }
0x56: {  	_ =	shalt  }
0x57: {  	_ =	shalt  }
0x58: {  	_ =	shalt  }
0x59: {  	_ =	shalt  }
0x5a: {  	_ =	shalt  }
0x5b: {  	_ =	shalt  }
0x5c: {  	_ =	shalt  }
0x5d: {  	_ =	shalt  }
0x5e: {  	_ =	shalt  }
0x5f: {  	_ =	shalt  }
0x60: {  	_ =	shalt  }
0x61: {  	_ =	shalt  }
0x62: {  	_ =	shalt  }
0x63: {  	_ =	shalt  }
0x64: {  	_ =	shalt  }
0x65: {  	_ =	shalt  }
0x66: {  	_ =	shalt  }
0x67: {  	_ =	shalt  }
0x68: {  	_ =	shalt  }
0x69: {  	_ =	shalt  }
0x6a: {  	_ =	shalt  }
0x6b: {  	_ =	shalt  }
0x6c: {  	_ =	shalt  }
0x6d: {  	_ =	shalt  }
0x6e: {  	_ =	shalt  }
0x6f: {  	_ =	shalt  }
0x70: {  	_ =	shalt  }
0x71: {  	_ =	shalt  }
0x72: {  	_ =	shalt  }
0x73: {  	_ =	shalt  }
0x74: {  	_ =	shalt  }
0x75: {  	_ =	shalt  }
0x76: {  	_ =	shalt  }
0x77: {  	_ =	shalt  }
0x78: {  	_ =	shalt  }
0x79: {  	_ =	shalt  }
0x7a: {  	_ =	shalt  }
0x7b: {  	_ =	shalt  }
0x7c: {  	_ =	shalt  }
0x7d: {  	_ =	shalt  }
0x7e: {  	_ =	shalt  }
0x7f: {  	_ =	shalt  }
0x80: {  	_ =	shalt  }
0x81: {  	_ =	shalt  }
0x82: {  	_ =	shalt  }
0x83: {  	_ =	shalt  }
0x84: {  	_ =	shalt  }
0x85: {  	_ =	shalt  }
0x86: {  	_ =	shalt  }
0x87: {  	_ =	shalt  }
.Lfunc_end0:
.L_simem_size_0:
called_computation_lowered:
.L_overlay_start_0:
0x88: {  	s0 =	sld [smem:$0x3FD9]  }
0x89: {  	s1 =	sld [smem:$0x3FFE];
	_ =	sdelay $0x3  }
0x8a: {  	s0 =	sadd.s32 s1, s0  }
0x8b: {  	[smem:$0x3FC6] =	sst s0  }
0x8c: {  	_ = 	snop  }
0x8d: {  	s0 =	sld [smem:$0x3FC9]  }
0x8e: {  	s17 =	sld [smem:$0x3FC8]  }
0x8f: {  	s2 =	sld [smem:$0x3FD0];
	(tm) =	ssettm $0x1  }
0x90: {  	s3 =	sld [smem:$0x3FFB];
	_ =	sdelay $0x3  }
0x91: {  	_ =	strace s3  }
0x92: {  	s3 =	sld [smem:$0x3FFC];
	_ =	sdelay $0x3  }
0x93: {  	_ =	strace s3  }
0x94: {  	s3 =	sld [smem:$0x3FFD];
	_ =	sdelay $0x3  }
0x95: {  	_ =	strace s3  }
0x96: {  	_ =	strace $0x8FFFFFFF  }
0x97: {  	s18 =	sld [smem:$0x3FDB];
	_ =	sdelay $0x1  }
0x98: {  	s4 =	simm.s32 $_scs_section_size  }
0x99: {  	s5 =	simm.s32 $_size__tile_overlayer_lowered;
	s6 =	simm.s32 $_tile_overlayer_lowered  }
0x9a: {  	s21 =	simm.s32 $0x1BFF;
	s20 =	sshll.u32 s6, $0x1;
	s3 =	sadd.s32 s4, s18  }
0x9b: {  	s7 =	simm.s32 $0x0;
	s19 =	sshll.u32 s5, $0x1;
	s5 =	sadd.s32 s20, s3  }
0x9c: {  	[timem:s7], [sflag:s21] =	dma.local [hbm:s5], s19  }
0x9d: {  	_ =	swait.ge [sflag:s21], s19  }
0x9e: {  	s4 =	ssub.s32 $0x0, s19;
	[sflag:s21] =	ssyncset.done $0x0  }
0x9f: {  	[sflag:s21] =	ssyncadd.s32 s4;
	_ =	sdelay $0x1  }
0xa0: {  	s22 =	simm.s32 $0x1B8B  }
0xa1: {  	_ =	swait.ge [sflag:s22], $0x1  }
0xa2: {  	[sflag:s22] =	ssyncset.done $0x0  }
0xa3: {  	s23 =	simm.s32 $0x1B8E;
	[sflag:s22] =	ssyncadd.s32 $0xFFFFFFFF  }
0xa4: {  	s24 =	simm.s32 $execute0_lowered;
	[smem:$0x3FD2] =	sst s23  }
0xa5: {  	s4 =	sshll.u32 s24, $0x1;
	_ =	strace $0x80000046;
	[dreg:$0x1] =	wrdreg $0xFFFFFFFF  }
0xa6: {  	s25 =	simm.s32 $_size_execute0_lowered;
	s3 =	sadd.s32 s3, s4;
	[dreg:$0x0] =	wrdreg $0x0  }
0xa7: {  	s4 =	sshll.u32 s25, $0x1;
	[dreg:$0x2] =	wrdreg s3  }
0xa8: {  	[dreg:$0x3] =	wrdreg s4  }
0xa9: {  	[dreg:$0x4] =	wrdreg $0xC0  }
0xaa: {  	_ =	task [dreg:s7], $0x5FFFF  }
0xab: {  	[dreg:$0x1] =	wrdreg $0xFFFFFFFF  }
0xac: {  	[dreg:$0x0] =	wrdreg $0x60  }
0xad: {  	[dreg:$0x2] =	wrdreg s0  }
0xae: {  	[dreg:$0x3] =	wrdreg s17  }
0xaf: {  	[dreg:$0x4] =	wrdreg s2  }
0xb0: {  	[dreg:$0x5] =	wrdreg $0x9  }
0xb1: {  	_ =	task.clear_ibuf [dreg:s7], $0x6FFFF;
	_ =	strace $0x90000046  }
0xb2: {  	s26 =	simm.s32 $0x9;
	_ =	strace $0x80000048  }
0xb3: {  	_ =	swait.ge [sflag:s26], $0x1  }
0xb4: {  	[sflag:s26] =	ssyncadd.s32 $0xFFFFFFFF  }
0xb5: {  	_ =	strace $0x90000048  }
0xb6: {  	_ =	sfence  }
0xb7: {  	s28 =	sld [smem:$0x0];
	_ =	sdelay $0x1  }
0xb8: {  	s29 =	srdreg.scid  }
0xb9: {  	s30 =	sshll.u32 s29, $0xD;
	s31 =	sshrl.u32 s29, $0x2  }
0xba: {  	s1 =	sand.u32 $0x1, s29;
	s2 =	sand.u32 $0x4000, s30;
	s0 =	sadd.s32 s31, s28  }
0xbb: {  	s1 =	sor.u32 s2, s1;
	s0 =	sshll.u32 s0, $0x11  }
0xbc: {  	s0 =	sor.u32 s0, s1  }
0xbd: {  	s0 =	sadd.s32 $0x8F2B, s0  }
0xbe: {  	[sflag:s0] =	ssyncadd.remote.s32 $0x1  }
0xbf: {  	_ =	sfence.sel $0xFFFF  }
0xc0: {  	[dreg:$0x0] =	wrdreg $0xFFFFFFFF;
	(pc) =	sbr.abs _section_cstart, $3  }
0xc1: {  	[dreg:$0x1] =	wrdreg $0xFFFFFFFF  }
0xc2: {  	_ =	task.clear_ibuf [dreg:s7], $0x2FFFF;
	_ =	strace $0x9FFFFFFF  }
0xc3: {  	(tm) =	ssettm $0x7FFFFFFF  }
tec
execute0_lowered:
.L_overlay_start_1:
0x0: {  	(tag) =	ssettag $0x1  }
0x1: {  	s4 =	rddreg [dreg:$0x0]  }
0x2: {  	s5 =	rddreg [dreg:$0x1]  }
0x3: {  	s3 =	rddreg [dreg:$0x2];
	s1 =	stileid.u32  }
0x4: {  	s0 =	rddreg [dreg:$0x3];
	s2 =	simm.s32 $0x0;
	s6 =	sshll.u32 s1, $0x2  }
0x5: {  	[smem:$0x7FF] =	sst s2;
	s6 =	sand.u32 $0xC, s6  }
0x6: {  	s11 =	simm.s32 $0x3;
	_ =	strace $0x80000047;
	s5 =	sadd.s32 s5, s6  }
0x7: {  	[tilespmem:s2], [sflag:$0x3] =	stream.linear.gather [hbm4b:s5+s2], $0x20, $0x38;
	[tilespmem:$0x8080] =	vst v63  }
0x8: {  	_ =	swait.ge [sflag:s11], $0x20  }
0x9: {  	[sflag:s11] =	ssyncset.done $0x0  }
0xa: {  	[sflag:s11] =	ssyncadd.s32 $0xFFFFFFE0  }
0xb: {  	v0 =	vld [tilespmem:$0x0];
	_ =	sdelay $0x2  }
0xc: {  	s12 =	sshll.u32 s1, $0xB  }
0xd: {  	s5 =	sand.u32 $0x6000, s12  }
0xe: {  	v1 =	vadd.s32 s5, v0  }
0xf: {  	v2 =	vshll.u32 v1, $0x3  }
0x10: {  	v3 =	vlaneseq.u32;
	v0 =	vand.u32 $0x7, v0;
	v2 =	vand.u32 $0xFFFFFFC0, v2  }
0x11: {  	v60 =	vand.u32 $0x7, v3;
	v4 =	vshrl.u32 v3, $0x3;
	v0 =	vor.u32 v0, v2  }
0x12: {  	v4 =	vmul.u32 $0x8, v4;
	v5 =	vld [tilespmem:$0x10];
	v6 =	vperm.xlane v0, v60;
	_ =	sdelay $0x1  }
0x13: {  	v6 =	vadd.s32 v4, v6;
	_ =	sdelay $0x2  }
0x14: {  	v61 =	vadd.s32 s5, v5;
	[tilespmem:$0x0] =	vst v1  }
0x15: {  	vm0 =	vmmov $0xffff;
	s13 =	simm.s32 $0x80;
	[tilespmem:$0x10] =	vst v61  }
0x16: {  	v62 =	vor.u32 $0x8, v3;
	[tilespmem:s13], [sflag:$0x1] =	stream.indirect_vreg.gather [hbm4b:s4+s2], $0x80, v6, vm0, $0xb8;
	[tilespmem:$0x8080] =	vst v63  }
0x17: {  	s7 =	simm.s32 $0x880;
	s14 =	sadd.s32 $0x100, s4;
	v0 =	vperm.xlane v0, v62  }
0x18: {  	[tilespmem:s7], [sflag:$0x1] =	stream.indirect_vreg.gather [hbm4b:s14+s2], $0x80, v6, vm0, $0xb8;
	[tilespmem:$0x8080] =	vst v63  }
0x19: {  	s8 =	simm.s32 $0x1080;
	s15 =	sadd.s32 $0x200, s4;
	v0 =	vadd.s32 v4, v0  }
0x1a: {  	[tilespmem:s8], [sflag:$0x1] =	stream.indirect_vreg.gather [hbm4b:s15+s2], $0x80, v6, vm0, $0xb8;
	[tilespmem:$0x8080] =	vst v63  }
0x1b: {  	s9 =	simm.s32 $0x1880;
	s16 =	sadd.s32 $0x300, s4  }
0x1c: {  	[tilespmem:s9], [sflag:$0x1] =	stream.indirect_vreg.gather [hbm4b:s16+s2], $0x80, v6, vm0, $0xb8;
	[tilespmem:$0x8080] =	vst v63  }
0x1d: {  	s17 =	simm.s32 $0x2080  }
0x1e: {  	[tilespmem:s17], [sflag:$0x1] =	stream.indirect_vreg.gather [hbm4b:s4+s2], $0x80, v0, vm0, $0xb8;
	[tilespmem:$0x8080] =	vst v63  }
0x1f: {  	s18 =	simm.s32 $0x2880  }
0x20: {  	[tilespmem:s18], [sflag:$0x1] =	stream.indirect_vreg.gather [hbm4b:s14+s2], $0x80, v0, vm0, $0xb8;
	[tilespmem:$0x8080] =	vst v63  }
0x21: {  	s19 =	simm.s32 $0x3080  }
0x22: {  	[tilespmem:s19], [sflag:$0x1] =	stream.indirect_vreg.gather [hbm4b:s15+s2], $0x80, v0, vm0, $0xb8;
	[tilespmem:$0x8080] =	vst v63  }
0x23: {  	s20 =	simm.s32 $0x3880  }
0x24: {  	[tilespmem:s20], [sflag:$0x1] =	stream.indirect_vreg.gather [hbm4b:s16+s2], $0x80, v0, vm0, $0xb8;
	[tilespmem:$0x8080] =	vst v63  }
0x25: {  	v0 =	vld [tilespmem:$0x10];
	_ =	sdelay $0x4  }
0x26: {  	v63 =	vshll.u32 v0, $0x3  }
0x27: {  	v0 =	vand.u32 $0x7, v0;
	v3 =	vand.u32 $0xFFFFFFC0, v63  }
0x28: {  	v0 =	vor.u32 v0, v3  }
0x29: {  	v2 =	vperm.xlane v0, v60;
	_ =	sdelay $0x1  }
0x2a: {  	v2 =	vadd.s32 v4, v2;
	_ =	sdelay $0x3  }
0x2b: {  	s21 =	simm.s32 $0x4080  }
0x2c: {  	[tilespmem:s21], [sflag:$0x1] =	stream.indirect_vreg.gather [hbm4b:s4+s2], $0x80, v2, vm0, $0xb8;
	[tilespmem:$0x8080] =	vst v63  }
0x2d: {  	s10 =	simm.s32 $0x4880;
	v0 =	vperm.xlane v0, v62  }
0x2e: {  	[tilespmem:s10], [sflag:$0x1] =	stream.indirect_vreg.gather [hbm4b:s14+s2], $0x80, v2, vm0, $0xb8;
	[tilespmem:$0x8080] =	vst v63  }
0x2f: {  	s22 =	simm.s32 $0x5080;
	v0 =	vadd.s32 v4, v0  }
0x30: {  	[tilespmem:s22], [sflag:$0x1] =	stream.indirect_vreg.gather [hbm4b:s15+s2], $0x80, v2, vm0, $0xb8;
	[tilespmem:$0x8080] =	vst v63  }
0x31: {  	s23 =	simm.s32 $0x5880  }
0x32: {  	[tilespmem:s23], [sflag:$0x1] =	stream.indirect_vreg.gather [hbm4b:s16+s2], $0x80, v2, vm0, $0xb8;
	[tilespmem:$0x8080] =	vst v63  }
0x33: {  	s24 =	simm.s32 $0x6080  }
0x34: {  	[tilespmem:s24], [sflag:$0x1] =	stream.indirect_vreg.gather [hbm4b:s4+s2], $0x80, v0, vm0, $0xb8;
	[tilespmem:$0x8080] =	vst v63  }
0x35: {  	s25 =	simm.s32 $0x6880  }
0x36: {  	[tilespmem:s25], [sflag:$0x1] =	stream.indirect_vreg.gather [hbm4b:s14+s2], $0x80, v0, vm0, $0xb8;
	[tilespmem:$0x8080] =	vst v63  }
0x37: {  	s26 =	simm.s32 $0x7080  }
0x38: {  	[tilespmem:s26], [sflag:$0x1] =	stream.indirect_vreg.gather [hbm4b:s15+s2], $0x80, v0, vm0, $0xb8;
	[tilespmem:$0x8080] =	vst v63  }
0x39: {  	s28 =	simm.s32 $0x7880;
	s29 =	simm.s32 $0x1  }
0x3a: {  	[tilespmem:s28], [sflag:$0x1] =	stream.indirect_vreg.gather [hbm4b:s16+s2], $0x80, v0, vm0, $0xb8;
	[tilespmem:$0x8080] =	vst v63  }
0x3b: {  	_ =	swait.ge [sflag:s29], $0x4000  }
0x3c: {  	s30 =	sshll.u32 s1, $0xC;
	[sflag:s29] =	ssyncset.done $0x0  }
0x3d: {  	s3 =	sadd.s32 s3, s30;
	[sflag:s29] =	ssyncadd.s32 $0xFFFFC000  }
0x3e: {  	[hbm4b:s3+s2] =	stream.linear.scatter [tilespmem:s13], [sflag:$0x2], $0x4000, $0x38;
	[tilespmem:$0x8080] =	vst v63  }
0x3f: {  	_ =	swait.ge [sflag:s29], $0x4000  }
0x40: {  	[sflag:s29] =	ssyncset.done $0x0  }
0x41: {  	s31 =	simm.s32 $0x2;
	s3 =	sadd.s32 $0x800, s3;
	[sflag:s29] =	ssyncadd.s32 $0xFFFFC000  }
0x42: {  	[hbm4b:s3+s2] =	stream.linear.scatter [tilespmem:s21], [sflag:$0x2], $0x4000, $0x38;
	[tilespmem:$0x8080] =	vst v63  }
0x43: {  	_ =	swait.ge [sflag:s31], $0x4000  }
0x44: {  	[sflag:s31] =	ssyncset.done $0x0  }
0x45: {  	[sflag:s31] =	ssyncadd.s32 $0xFFFFC000  }
0x46: {  	_ =	swait.ge [sflag:s31], $0x4000  }
0x47: {  	[sflag:s31] =	ssyncset.done $0x0  }
0x48: {  	[sflag:s31] =	ssyncadd.s32 $0xFFFFC000  }
0x49: {  	_ =	sfence.sel $0x180000  }
0x4a: {  	[bflag:$0x0] =	sbarrier.arrive $0xFFFF  }
0x4b: {  	p0 =	sne.s32 s1, $0x0;
	_ =	strace $0x90000047  }
0x4c: {  	s0 =	sadd.s32 @!p0 $0x100000, s0;
	[bflag:$0x2] =	sbarrier.arrive $0xFFFF  }
0x4d: {  	[sflag:s0] =	ssyncadd.tile.s32 @!p0 $0x1;
	_ =	shalt  }
.Lfunc_end2:
_tile_overlayer_lowered:
.L_overlay_start_2:
0x4e: {  	(tag) =	ssettag $0x2  }
0x4f: {  	s0 =	rddreg [dreg:$0x0];
	s2 =	stileid.u32  }
0x50: {  	s1 =	rddreg [dreg:$0x1];
	p0 =	sne.s32 s2, $0x0  }
0x51: {  	s3 =	rddreg [dreg:$0x2];
	[bflag:$0x3] =	sbarrier.arrive $0xFFFF;
	s2 =	simm.s32 @!p0 $0x1C03  }
0x52: {  	[timem:s3], [sflag:s2] =	dma.local @!p0 [hbm:s0], s1  }
0x53: {  	s0 =	simm.s32 @!p0 $0x3  }
0x54: {  	_ =	swait.ge @!p0 [sflag:s0], s1  }
0x55: {  	s1 =	ssub.s32 @!p0 $0x0, s1;
	[sflag:s0] =	ssyncset.done @!p0 $0x0  }
0x56: {  	[sflag:s0] =	ssyncadd.s32 @!p0 s1  }
0x57: {  	[bflag:$0x3] =	sbarrier.arrive $0xFFFF  }
0x58: {  	_ =	shalt  }

</sc_bundles>
